<compile_context>
chip_gen: v7x
topology: tpu7x:2x2x1
jax: 0.10.2.dev20260603
libtpu: 0.0.44.dev20260713+nightly
codegen_flags: <defaults>
</compile_context>

<pallas_src>
import functools

import jax
import jax.numpy as jnp
from jax import lax
from jax.experimental import pallas as pl
from jax.experimental.pallas import tpu as pltpu
from jax.experimental.pallas import tpu_sc as plsc

V = 100000
D = 64
H = 100
C = 6
B = 4096
L = 50

NC = 2
NS = 16
NW = NC * NS
R = B * L
ROWS_PER_W = R // NW
CH = 128
NCH = ROWS_PER_W // CH

HP = 128
GP = 4 * HP
KP = 256


def _sc_gather(idx, emb):
    mesh = plsc.VectorSubcoreMesh(core_axis_name="c", subcore_axis_name="s")

    @functools.partial(
        pl.kernel,
        mesh=mesh,
        out_type=jax.ShapeDtypeStruct((L, B, D), jnp.float32),
        scratch_types=[
            pltpu.VMEM((NCH, CH), jnp.int32),
            pltpu.VMEM((CH, D), jnp.float32),
            pltpu.VMEM((CH, D), jnp.float32),
            pltpu.SemaphoreType.DMA,
            pltpu.SemaphoreType.DMA,
        ],
        compiler_params=pltpu.CompilerParams(use_tc_tiling_on_sc=False),
    )
    def k(idx_hbm, emb_hbm, out_hbm, idx_v, buf0, buf1, sem0, sem1):
        wid = lax.axis_index("s") * NC + lax.axis_index("c")
        base = pl.multiple_of(wid * ROWS_PER_W, CH)
        pltpu.sync_copy(idx_hbm.at[wid], idx_v)

        def write_out(buf, chunk):
            row0 = base + chunk * CH
            t_ix = lax.shift_right_logical(row0, 12)
            b_ix = pl.multiple_of(lax.bitwise_and(row0, B - 1), CH)
            pltpu.sync_copy(buf, out_hbm.at[t_ix, pl.ds(b_ix, CH)])

        def gather(buf, sem, chunk):
            pltpu.async_copy(emb_hbm.at[idx_v.at[chunk]], buf, sem)

        def wait_gather(buf, sem):
            pltpu.make_async_copy(emb_hbm.at[pl.ds(0, CH)], buf, sem).wait()

        gather(buf0, sem0, 0)

        def body(j, carry):
            gather(buf1, sem1, 2 * j + 1)
            wait_gather(buf0, sem0)
            write_out(buf0, 2 * j)
            gather(buf0, sem0, 2 * j + 2)
            wait_gather(buf1, sem1)
            write_out(buf1, 2 * j + 1)
            return carry

        lax.fori_loop(0, NCH // 2 - 1, body, 0)
        gather(buf1, sem1, NCH - 1)
        wait_gather(buf0, sem0)
        write_out(buf0, NCH - 2)
        wait_gather(buf1, sem1)
        write_out(buf1, NCH - 1)

    return k(idx, emb)


def _lstm_body(xs_ref, Wc0_ref, Wc1_ref, b_ref, Wl_ref, bl_ref, out_ref,
               h0_ref, h1_ref, c0_ref, c1_ref):
    t = pl.program_id(0)

    @pl.when(t == 0)
    def _init():
        for r in (h0_ref, h1_ref, c0_ref, c1_ref):
            r[...] = jnp.zeros_like(r)

    xb = xs_ref[0].astype(jnp.bfloat16)

    def half(Wc_ref, h_ref, c_ref):
        xh = jnp.concatenate([xb, h_ref[...]], axis=1)
        gates = lax.dot_general(
            xh, Wc_ref[...], (((1,), (0,)), ((), ())),
            preferred_element_type=jnp.float32,
        ) + b_ref[...]
        ti = jnp.tanh(gates[:, 0:HP])
        tf = jnp.tanh(gates[:, HP:2 * HP])
        g = jnp.tanh(gates[:, 2 * HP:3 * HP])
        to = jnp.tanh(gates[:, 3 * HP:4 * HP])
        cold = c_ref[...]
        c = 0.5 * ((tf * cold + cold) + (ti * g + g))
        T = jnp.tanh(c)
        h2 = 0.5 * (to * T + T)
        c_ref[...] = c
        h_ref[...] = h2.astype(jnp.bfloat16)

    half(Wc0_ref, h0_ref, c0_ref)
    half(Wc1_ref, h1_ref, c1_ref)

    @pl.when(t == L - 1)
    def _finish():
        def head(h_ref, p):
            logits = lax.dot_general(
                h_ref[...], Wl_ref[...], (((1,), (0,)), ((), ())),
                preferred_element_type=jnp.float32,
            ) + bl_ref[...]
            m = jnp.max(logits, axis=1, keepdims=True)
            e = jnp.exp(logits - m)
            out_ref[p] = e / jnp.sum(e, axis=1, keepdims=True)

        head(h0_ref, 0)
        head(h1_ref, 1)


def _lstm_tc(xs, Wc0, Wc1, b, Wl, bl):
    B2 = B // 2
    return pl.pallas_call(
        _lstm_body,
        grid=(L,),
        in_specs=[
            pl.BlockSpec((1, B2, 2 * D), lambda t: (t, 0, 0)),
            pl.BlockSpec((KP, GP), lambda t: (0, 0)),
            pl.BlockSpec((KP, GP), lambda t: (0, 0)),
            pl.BlockSpec((1, GP), lambda t: (0, 0)),
            pl.BlockSpec((HP, HP), lambda t: (0, 0)),
            pl.BlockSpec((1, HP), lambda t: (0, 0)),
        ],
        out_specs=pl.BlockSpec((2, B2, HP), lambda t: (0, 0, 0)),
        out_shape=jax.ShapeDtypeStruct((2, B2, HP), jnp.float32),
        scratch_shapes=[
            pltpu.VMEM((B2, HP), jnp.bfloat16),
            pltpu.VMEM((B2, HP), jnp.bfloat16),
            pltpu.VMEM((B2, HP), jnp.float32),
            pltpu.VMEM((B2, HP), jnp.float32),
        ],
        compiler_params=pltpu.CompilerParams(
            dimension_semantics=("arbitrary",),
        ),
    )(xs, Wc0, Wc1, b, Wl, bl)


def _prep_weights(W_ih, W_hh, b_ih, b_hh, W_lin, b_lin):
    scale = jnp.array([0.5, 0.5, 1.0, 0.5], jnp.float32)
    W4 = jnp.concatenate([W_ih, W_hh], axis=1).reshape(4, H, D + H)
    W4 = W4 * scale[:, None, None]
    b4 = jnp.pad((b_ih + b_hh).reshape(4, H) * scale[:, None],
                 ((0, 0), (0, HP - H)))
    b = b4.reshape(1, GP)

    def pack(xoff):
        blk = jnp.zeros((4, HP, KP), jnp.float32)
        blk = blk.at[:, :H, xoff:xoff + D].set(W4[:, :, :D])
        blk = blk.at[:, :H, 2 * D:2 * D + H].set(W4[:, :, D:])
        return blk.transpose(2, 0, 1).reshape(KP, GP).astype(jnp.bfloat16)

    Wc0, Wc1 = pack(0), pack(D)
    Wl = jnp.zeros((HP, HP), jnp.bfloat16).at[:H, :C].set(W_lin.T.astype(jnp.bfloat16))
    bl = jnp.full((1, HP), -1e30, jnp.float32).at[0, :C].set(b_lin)
    return Wc0, Wc1, b, Wl, bl


def kernel(x, emb, W_ih, W_hh, b_ih, b_hh, W_lin, b_lin):
    idx = x.T.reshape(NW, NCH, CH)
    xs = _sc_gather(idx, emb)
    xs2 = xs.reshape(L, B // 2, 2 * D)
    Wc0, Wc1, b, Wl, bl = _prep_weights(W_ih, W_hh, b_ih, b_hh, W_lin, b_lin)
    out2 = _lstm_tc(xs2, Wc0, Wc1, b, Wl, bl)
    out = out2.transpose(1, 0, 2).reshape(B, HP)
    return out[:, :C]

# --- scband reference (transcript-rebuilt; emitter-appended) ---
"""Pipeline reference for scband-emotions-classifier-2997887172619 (READ-ONLY COPY).

The authoritative reference and input builder live on the scoring server;
editing this copy changes nothing except your own understanding.
"""

import jax, jax.numpy as jnp
import numpy as np

V = 100000
D = 64
H = 100
C = 6
B = 4096
L = 50


def setup_inputs(seed: int = 0) -> dict:
    key = jax.random.key(seed)
    ks = jax.random.split(key, 8)
    x = jax.random.randint(ks[0], (B, L), 0, V, dtype=jnp.int32)
    emb = jax.random.normal(ks[1], (V, D), dtype=jnp.float32) * 0.02
    s = 1.0 / np.sqrt(H)
    W_ih = jax.random.uniform(ks[2], (4 * H, D), minval=-s, maxval=s, dtype=jnp.float32)
    W_hh = jax.random.uniform(ks[3], (4 * H, H), minval=-s, maxval=s, dtype=jnp.float32)
    b_ih = jax.random.uniform(ks[4], (4 * H,), minval=-s, maxval=s, dtype=jnp.float32)
    b_hh = jax.random.uniform(ks[5], (4 * H,), minval=-s, maxval=s, dtype=jnp.float32)
    s2 = 1.0 / np.sqrt(H)
    W_lin = jax.random.uniform(ks[6], (C, H), minval=-s2, maxval=s2, dtype=jnp.float32)
    b_lin = jax.random.uniform(ks[7], (C,), minval=-s2, maxval=s2, dtype=jnp.float32)
    return {"x": x, "emb": emb, "W_ih": W_ih, "W_hh": W_hh, "b_ih": b_ih, "b_hh": b_hh, "W_lin": W_lin, "b_lin": b_lin}


def reference(x, emb, W_ih, W_hh, b_ih, b_hh, W_lin, b_lin):
    # Embedding lookup (gather)
    e = jnp.take(emb, x, axis=0)  # [B, L, D]
    xs = jnp.transpose(e, (1, 0, 2))  # [L, B, D] time-major for scan
    batch = x.shape[0]
    h0 = jnp.zeros((batch, H), dtype=jnp.float32)
    c0 = jnp.zeros((batch, H), dtype=jnp.float32)

    def step(carry, xt):
        h, c = carry
        gates = xt @ W_ih.T + b_ih + h @ W_hh.T + b_hh  # [B, 4H]
        i_g, f_g, g_g, o_g = jnp.split(gates, 4, axis=1)
        i = jax.nn.sigmoid(i_g)
        f = jax.nn.sigmoid(f_g)
        g = jnp.tanh(g_g)
        o = jax.nn.sigmoid(o_g)
        c2 = f * c + i * g
        h2 = o * jnp.tanh(c2)
        return (h2, c2), None

    (hT, cT), _ = jax.lax.scan(step, (h0, c0), xs)
    # PyTorch: linear(lstm_out[1][0][0]) -> h_n for layer 0, shape [B, H]
    logits = hT @ W_lin.T + b_lin  # [B, C]
    return jax.nn.softmax(logits, axis=1)

if __name__ == "__main__":
    import jax
    _d = setup_inputs()
    print(jax.jit(kernel)(*tuple(_d.values())))

</pallas_src>

<mosaic_0001>
#map = affine_map<(d0, d1) -> (0, 0, 0)>
#map1 = affine_map<(d0, d1) -> (0, 0)>
module attributes {stable_mosaic.version = 14 : i64} {
  func.func @k(%arg0: i32, %arg1: i32, %arg2: memref<32x50x128xi32, #tpu.memory_space<hbm>>, %arg3: memref<100000x64xf32, #tpu.memory_space<hbm>>, %arg4: memref<50x4096x64xf32, #tpu.memory_space<hbm>>, %arg5: memref<50x128xi32, #tpu.memory_space<vmem>>, %arg6: memref<128x64xf32, #tpu.memory_space<vmem>>, %arg7: memref<128x64xf32, #tpu.memory_space<vmem>>, %arg8: memref<!tpu.dma_semaphore, #tpu.memory_space<semaphore_mem>>, %arg9: memref<!tpu.dma_semaphore, #tpu.memory_space<semaphore_mem>>) attributes {dimension_semantics = [#tpu.dimension_semantics<core_parallel>, #tpu.dimension_semantics<subcore_parallel>], iteration_bounds = array<i64: 2, 16>, scalar_prefetch = 0 : i64, scratch_operands = 5 : i64, tpu.core_type = #tpu.core_type<sc_vector_subcore>, window_params = [{transform_indices = #map}, {transform_indices = #map1}, {transform_indices = #map}]} {
    %mul3A = arith.constant 2 : i32
    %mul3A_0 = arith.muli %arg1, %mul3A : i32
    %add3A = arith.addi %mul3A_0, %arg0 : i32
    %mul3A_1 = arith.constant 6400 : i32
    %mul3A_2 = arith.muli %add3A, %mul3A_1 : i32
    %multiple_of3A = tpu.assume_multiple %mul3A_2, 128 : i32
    "tpu.region"() ({
      %run_scoped3A = tpu.sem_alloc : memref<!tpu.dma_semaphore, #tpu.memory_space<semaphore_mem>>
      %dma_start3A_44 = arith.constant 0 : i32
      %dma_start3A_45 = arith.constant 0 : i32
      %dma_start3A_46 = tpu.memref_slice %arg2[%add3A, %dma_start3A_44, %dma_start3A_45] : memref<32x50x128xi32, #tpu.memory_space<hbm>> -> memref<1x50x128xi32, #tpu.memory_space<hbm>>
      %dma_start3A_47 = tpu.memref_squeeze %dma_start3A_46 : memref<1x50x128xi32, #tpu.memory_space<hbm>> -> memref<50x128xi32, #tpu.memory_space<hbm>>
      %dma_start3A_48 = arith.constant 0 : i32
      %dma_start3A_49 = arith.constant 0 : i32
      %dma_start3A_50 = tpu.memref_slice %arg2[%add3A, %dma_start3A_48, %dma_start3A_49] : memref<32x50x128xi32, #tpu.memory_space<hbm>> -> memref<1x50x128xi32, #tpu.memory_space<hbm>>
      %dma_start3A_51 = tpu.memref_squeeze %dma_start3A_50 : memref<1x50x128xi32, #tpu.memory_space<hbm>> -> memref<50x128xi32, #tpu.memory_space<hbm>>
      tpu.enqueue_dma source(%dma_start3A_51 : memref<50x128xi32, #tpu.memory_space<hbm>>) target(%arg5 : memref<50x128xi32, #tpu.memory_space<vmem>>) target_semaphore(%run_scoped3A : memref<!tpu.dma_semaphore, #tpu.memory_space<semaphore_mem>>)
      %dma_wait3A_52 = arith.constant 0 : i32
      %dma_wait3A_53 = arith.constant 0 : i32
      %dma_wait3A_54 = tpu.memref_slice %arg2[%add3A, %dma_wait3A_52, %dma_wait3A_53] : memref<32x50x128xi32, #tpu.memory_space<hbm>> -> memref<1x50x128xi32, #tpu.memory_space<hbm>>
      %dma_wait3A_55 = tpu.memref_squeeze %dma_wait3A_54 : memref<1x50x128xi32, #tpu.memory_space<hbm>> -> memref<50x128xi32, #tpu.memory_space<hbm>>
      %dma_wait3A_56 = arith.constant 0 : i32
      %dma_wait3A_57 = arith.constant 0 : i32
      %dma_wait3A_58 = tpu.memref_slice %arg2[%add3A, %dma_wait3A_56, %dma_wait3A_57] : memref<32x50x128xi32, #tpu.memory_space<hbm>> -> memref<1x50x128xi32, #tpu.memory_space<hbm>>
      %dma_wait3A_59 = tpu.memref_squeeze %dma_wait3A_58 : memref<1x50x128xi32, #tpu.memory_space<hbm>> -> memref<50x128xi32, #tpu.memory_space<hbm>>
      tpu.wait_dma2 semaphore(%run_scoped3A : memref<!tpu.dma_semaphore, #tpu.memory_space<semaphore_mem>>) src(%dma_wait3A_59 : memref<50x128xi32, #tpu.memory_space<hbm>>) dst(%arg5 : memref<50x128xi32, #tpu.memory_space<vmem>>)
      tpu.yield
    }) : () -> ()
    %dma_start3A = arith.constant 0 : i32
    %dma_start3A_3 = arith.constant 0 : i32
    %dma_start3A_4 = tpu.memref_slice %arg5[%dma_start3A, %dma_start3A_3] : memref<50x128xi32, #tpu.memory_space<vmem>> -> memref<1x128xi32, #tpu.memory_space<vmem>>
    %dma_start3A_5 = tpu.memref_squeeze %dma_start3A_4 : memref<1x128xi32, #tpu.memory_space<vmem>> -> memref<128xi32, #tpu.memory_space<vmem>>
    %dma_start3A_6 = arith.constant 0 : i32
    %dma_start3A_7 = arith.constant 0 : i32
    %dma_start3A_8 = tpu.memref_slice %arg3[%dma_start3A_6, %dma_start3A_7] : memref<100000x64xf32, #tpu.memory_space<hbm>> -> memref<100000x64xf32, #tpu.memory_space<hbm>>
    tpu.enqueue_indirect_dma source(%dma_start3A_8 : memref<100000x64xf32, #tpu.memory_space<hbm>>) target(%arg6 : memref<128x64xf32, #tpu.memory_space<vmem>>) offsets(%dma_start3A_5 : memref<128xi32, #tpu.memory_space<vmem>>) semaphore(%arg8 : memref<!tpu.dma_semaphore, #tpu.memory_space<semaphore_mem>>)
    %scan3A = arith.constant 0 : i32
    %scan3A_9 = arith.constant 0 : i32
    %scan3A_10 = arith.constant 24 : i32
    %scan3A_11 = arith.addi %scan3A_9, %scan3A_10 : i32
    %scan3A_12 = arith.constant 1 : i32
    scf.for %scan3A_44 = %scan3A_9 to %scan3A_11 step %scan3A_12  : i32 {
      %mul3A_45 = arith.constant 2 : i32
      %mul3A_46 = arith.muli %mul3A_45, %scan3A_44 : i32
      %add3A_47 = arith.constant 1 : i32
      %add3A_48 = arith.addi %mul3A_46, %add3A_47 : i32
      %dma_start3A_49 = arith.constant 0 : i32
      %dma_start3A_50 = tpu.memref_slice %arg5[%add3A_48, %dma_start3A_49] : memref<50x128xi32, #tpu.memory_space<vmem>> -> memref<1x128xi32, #tpu.memory_space<vmem>>
      %dma_start3A_51 = tpu.memref_squeeze %dma_start3A_50 : memref<1x128xi32, #tpu.memory_space<vmem>> -> memref<128xi32, #tpu.memory_space<vmem>>
      %dma_start3A_52 = arith.constant 0 : i32
      %dma_start3A_53 = arith.constant 0 : i32
      %dma_start3A_54 = tpu.memref_slice %arg3[%dma_start3A_52, %dma_start3A_53] : memref<100000x64xf32, #tpu.memory_space<hbm>> -> memref<100000x64xf32, #tpu.memory_space<hbm>>
      tpu.enqueue_indirect_dma source(%dma_start3A_54 : memref<100000x64xf32, #tpu.memory_space<hbm>>) target(%arg7 : memref<128x64xf32, #tpu.memory_space<vmem>>) offsets(%dma_start3A_51 : memref<128xi32, #tpu.memory_space<vmem>>) semaphore(%arg9 : memref<!tpu.dma_semaphore, #tpu.memory_space<semaphore_mem>>)
      %dma_wait3A_55 = arith.constant 0 : i32
      %dma_wait3A_56 = arith.constant 0 : i32
      %dma_wait3A_57 = tpu.memref_slice %arg3[%dma_wait3A_55, %dma_wait3A_56] : memref<100000x64xf32, #tpu.memory_space<hbm>> -> memref<128x64xf32, #tpu.memory_space<hbm>>
      %dma_wait3A_58 = arith.constant 0 : i32
      %dma_wait3A_59 = arith.constant 0 : i32
      %dma_wait3A_60 = tpu.memref_slice %arg3[%dma_wait3A_58, %dma_wait3A_59] : memref<100000x64xf32, #tpu.memory_space<hbm>> -> memref<128x64xf32, #tpu.memory_space<hbm>>
      tpu.wait_dma2 semaphore(%arg8 : memref<!tpu.dma_semaphore, #tpu.memory_space<semaphore_mem>>) src(%dma_wait3A_60 : memref<128x64xf32, #tpu.memory_space<hbm>>) dst(%arg6 : memref<128x64xf32, #tpu.memory_space<vmem>>)
      %mul3A_61 = arith.constant 2 : i32
      %mul3A_62 = arith.muli %mul3A_61, %scan3A_44 : i32
      %mul3A_63 = arith.constant 128 : i32
      %mul3A_64 = arith.muli %mul3A_62, %mul3A_63 : i32
      %add3A_65 = arith.addi %multiple_of3A, %mul3A_64 : i32
      %shift_right_logical3A_66 = arith.constant 12 : i32
      %shift_right_logical3A_67 = arith.shrui %add3A_65, %shift_right_logical3A_66 : i32
      %and3A_68 = arith.constant 4095 : i32
      %and3A_69 = arith.andi %add3A_65, %and3A_68 : i32
      %multiple_of3A_70 = tpu.assume_multiple %and3A_69, 128 : i32
      "tpu.region"() ({
        %run_scoped3A = tpu.sem_alloc : memref<!tpu.dma_semaphore, #tpu.memory_space<semaphore_mem>>
        %dma_start3A_99 = arith.constant 0 : i32
        %dma_start3A_100 = tpu.memref_slice %arg4[%shift_right_logical3A_67, %multiple_of3A_70, %dma_start3A_99] : memref<50x4096x64xf32, #tpu.memory_space<hbm>> -> memref<1x128x64xf32, #tpu.memory_space<hbm>>
        %dma_start3A_101 = tpu.memref_squeeze %dma_start3A_100 : memref<1x128x64xf32, #tpu.memory_space<hbm>> -> memref<128x64xf32, #tpu.memory_space<hbm>>
        %dma_start3A_102 = arith.constant 0 : i32
        %dma_start3A_103 = tpu.memref_slice %arg4[%shift_right_logical3A_67, %multiple_of3A_70, %dma_start3A_102] : memref<50x4096x64xf32, #tpu.memory_space<hbm>> -> memref<1x128x64xf32, #tpu.memory_space<hbm>>
        %dma_start3A_104 = tpu.memref_squeeze %dma_start3A_103 : memref<1x128x64xf32, #tpu.memory_space<hbm>> -> memref<128x64xf32, #tpu.memory_space<hbm>>
        tpu.enqueue_dma source(%arg6 : memref<128x64xf32, #tpu.memory_space<vmem>>) target(%dma_start3A_104 : memref<128x64xf32, #tpu.memory_space<hbm>>) target_semaphore(%run_scoped3A : memref<!tpu.dma_semaphore, #tpu.memory_space<semaphore_mem>>)
        %dma_wait3A_105 = arith.constant 0 : i32
        %dma_wait3A_106 = tpu.memref_slice %arg4[%shift_right_logical3A_67, %multiple_of3A_70, %dma_wait3A_105] : memref<50x4096x64xf32, #tpu.memory_space<hbm>> -> memref<1x128x64xf32, #tpu.memory_space<hbm>>
        %dma_wait3A_107 = tpu.memref_squeeze %dma_wait3A_106 : memref<1x128x64xf32, #tpu.memory_space<hbm>> -> memref<128x64xf32, #tpu.memory_space<hbm>>
        %dma_wait3A_108 = arith.constant 0 : i32
        %dma_wait3A_109 = tpu.memref_slice %arg4[%shift_right_logical3A_67, %multiple_of3A_70, %dma_wait3A_108] : memref<50x4096x64xf32, #tpu.memory_space<hbm>> -> memref<1x128x64xf32, #tpu.memory_space<hbm>>
        %dma_wait3A_110 = tpu.memref_squeeze %dma_wait3A_109 : memref<1x128x64xf32, #tpu.memory_space<hbm>> -> memref<128x64xf32, #tpu.memory_space<hbm>>
        tpu.wait_dma2 semaphore(%run_scoped3A : memref<!tpu.dma_semaphore, #tpu.memory_space<semaphore_mem>>) src(%arg6 : memref<128x64xf32, #tpu.memory_space<vmem>>) dst(%dma_wait3A_110 : memref<128x64xf32, #tpu.memory_space<hbm>>)
        tpu.yield
      }) : () -> ()
      %mul3A_71 = arith.constant 2 : i32
      %mul3A_72 = arith.muli %mul3A_71, %scan3A_44 : i32
      %add3A_73 = arith.constant 2 : i32
      %add3A_74 = arith.addi %mul3A_72, %add3A_73 : i32
      %dma_start3A_75 = arith.constant 0 : i32
      %dma_start3A_76 = tpu.memref_slice %arg5[%add3A_74, %dma_start3A_75] : memref<50x128xi32, #tpu.memory_space<vmem>> -> memref<1x128xi32, #tpu.memory_space<vmem>>
      %dma_start3A_77 = tpu.memref_squeeze %dma_start3A_76 : memref<1x128xi32, #tpu.memory_space<vmem>> -> memref<128xi32, #tpu.memory_space<vmem>>
      %dma_start3A_78 = arith.constant 0 : i32
      %dma_start3A_79 = arith.constant 0 : i32
      %dma_start3A_80 = tpu.memref_slice %arg3[%dma_start3A_78, %dma_start3A_79] : memref<100000x64xf32, #tpu.memory_space<hbm>> -> memref<100000x64xf32, #tpu.memory_space<hbm>>
      tpu.enqueue_indirect_dma source(%dma_start3A_80 : memref<100000x64xf32, #tpu.memory_space<hbm>>) target(%arg6 : memref<128x64xf32, #tpu.memory_space<vmem>>) offsets(%dma_start3A_77 : memref<128xi32, #tpu.memory_space<vmem>>) semaphore(%arg8 : memref<!tpu.dma_semaphore, #tpu.memory_space<semaphore_mem>>)
      %dma_wait3A_81 = arith.constant 0 : i32
      %dma_wait3A_82 = arith.constant 0 : i32
      %dma_wait3A_83 = tpu.memref_slice %arg3[%dma_wait3A_81, %dma_wait3A_82] : memref<100000x64xf32, #tpu.memory_space<hbm>> -> memref<128x64xf32, #tpu.memory_space<hbm>>
      %dma_wait3A_84 = arith.constant 0 : i32
      %dma_wait3A_85 = arith.constant 0 : i32
      %dma_wait3A_86 = tpu.memref_slice %arg3[%dma_wait3A_84, %dma_wait3A_85] : memref<100000x64xf32, #tpu.memory_space<hbm>> -> memref<128x64xf32, #tpu.memory_space<hbm>>
      tpu.wait_dma2 semaphore(%arg9 : memref<!tpu.dma_semaphore, #tpu.memory_space<semaphore_mem>>) src(%dma_wait3A_86 : memref<128x64xf32, #tpu.memory_space<hbm>>) dst(%arg7 : memref<128x64xf32, #tpu.memory_space<vmem>>)
      %mul3A_87 = arith.constant 2 : i32
      %mul3A_88 = arith.muli %mul3A_87, %scan3A_44 : i32
      %add3A_89 = arith.constant 1 : i32
      %add3A_90 = arith.addi %mul3A_88, %add3A_89 : i32
      %mul3A_91 = arith.constant 128 : i32
      %mul3A_92 = arith.muli %add3A_90, %mul3A_91 : i32
      %add3A_93 = arith.addi %multiple_of3A, %mul3A_92 : i32
      %shift_right_logical3A_94 = arith.constant 12 : i32
      %shift_right_logical3A_95 = arith.shrui %add3A_93, %shift_right_logical3A_94 : i32
      %and3A_96 = arith.constant 4095 : i32
      %and3A_97 = arith.andi %add3A_93, %and3A_96 : i32
      %multiple_of3A_98 = tpu.assume_multiple %and3A_97, 128 : i32
      "tpu.region"() ({
        %run_scoped3A = tpu.sem_alloc : memref<!tpu.dma_semaphore, #tpu.memory_space<semaphore_mem>>
        %dma_start3A_99 = arith.constant 0 : i32
        %dma_start3A_100 = tpu.memref_slice %arg4[%shift_right_logical3A_95, %multiple_of3A_98, %dma_start3A_99] : memref<50x4096x64xf32, #tpu.memory_space<hbm>> -> memref<1x128x64xf32, #tpu.memory_space<hbm>>
        %dma_start3A_101 = tpu.memref_squeeze %dma_start3A_100 : memref<1x128x64xf32, #tpu.memory_space<hbm>> -> memref<128x64xf32, #tpu.memory_space<hbm>>
        %dma_start3A_102 = arith.constant 0 : i32
        %dma_start3A_103 = tpu.memref_slice %arg4[%shift_right_logical3A_95, %multiple_of3A_98, %dma_start3A_102] : memref<50x4096x64xf32, #tpu.memory_space<hbm>> -> memref<1x128x64xf32, #tpu.memory_space<hbm>>
        %dma_start3A_104 = tpu.memref_squeeze %dma_start3A_103 : memref<1x128x64xf32, #tpu.memory_space<hbm>> -> memref<128x64xf32, #tpu.memory_space<hbm>>
        tpu.enqueue_dma source(%arg7 : memref<128x64xf32, #tpu.memory_space<vmem>>) target(%dma_start3A_104 : memref<128x64xf32, #tpu.memory_space<hbm>>) target_semaphore(%run_scoped3A : memref<!tpu.dma_semaphore, #tpu.memory_space<semaphore_mem>>)
        %dma_wait3A_105 = arith.constant 0 : i32
        %dma_wait3A_106 = tpu.memref_slice %arg4[%shift_right_logical3A_95, %multiple_of3A_98, %dma_wait3A_105] : memref<50x4096x64xf32, #tpu.memory_space<hbm>> -> memref<1x128x64xf32, #tpu.memory_space<hbm>>
        %dma_wait3A_107 = tpu.memref_squeeze %dma_wait3A_106 : memref<1x128x64xf32, #tpu.memory_space<hbm>> -> memref<128x64xf32, #tpu.memory_space<hbm>>
        %dma_wait3A_108 = arith.constant 0 : i32
        %dma_wait3A_109 = tpu.memref_slice %arg4[%shift_right_logical3A_95, %multiple_of3A_98, %dma_wait3A_108] : memref<50x4096x64xf32, #tpu.memory_space<hbm>> -> memref<1x128x64xf32, #tpu.memory_space<hbm>>
        %dma_wait3A_110 = tpu.memref_squeeze %dma_wait3A_109 : memref<1x128x64xf32, #tpu.memory_space<hbm>> -> memref<128x64xf32, #tpu.memory_space<hbm>>
        tpu.wait_dma2 semaphore(%run_scoped3A : memref<!tpu.dma_semaphore, #tpu.memory_space<semaphore_mem>>) src(%arg7 : memref<128x64xf32, #tpu.memory_space<vmem>>) dst(%dma_wait3A_110 : memref<128x64xf32, #tpu.memory_space<hbm>>)
        tpu.yield
      }) : () -> ()
    }
    %scan3A_13 = arith.constant 24 : i32
    %dma_start3A_14 = arith.constant 49 : i32
    %dma_start3A_15 = arith.constant 0 : i32
    %dma_start3A_16 = tpu.memref_slice %arg5[%dma_start3A_14, %dma_start3A_15] : memref<50x128xi32, #tpu.memory_space<vmem>> -> memref<1x128xi32, #tpu.memory_space<vmem>>
    %dma_start3A_17 = tpu.memref_squeeze %dma_start3A_16 : memref<1x128xi32, #tpu.memory_space<vmem>> -> memref<128xi32, #tpu.memory_space<vmem>>
    %dma_start3A_18 = arith.constant 0 : i32
    %dma_start3A_19 = arith.constant 0 : i32
    %dma_start3A_20 = tpu.memref_slice %arg3[%dma_start3A_18, %dma_start3A_19] : memref<100000x64xf32, #tpu.memory_space<hbm>> -> memref<100000x64xf32, #tpu.memory_space<hbm>>
    tpu.enqueue_indirect_dma source(%dma_start3A_20 : memref<100000x64xf32, #tpu.memory_space<hbm>>) target(%arg7 : memref<128x64xf32, #tpu.memory_space<vmem>>) offsets(%dma_start3A_17 : memref<128xi32, #tpu.memory_space<vmem>>) semaphore(%arg9 : memref<!tpu.dma_semaphore, #tpu.memory_space<semaphore_mem>>)
    %dma_wait3A = arith.constant 0 : i32
    %dma_wait3A_21 = arith.constant 0 : i32
    %dma_wait3A_22 = tpu.memref_slice %arg3[%dma_wait3A, %dma_wait3A_21] : memref<100000x64xf32, #tpu.memory_space<hbm>> -> memref<128x64xf32, #tpu.memory_space<hbm>>
    %dma_wait3A_23 = arith.constant 0 : i32
    %dma_wait3A_24 = arith.constant 0 : i32
    %dma_wait3A_25 = tpu.memref_slice %arg3[%dma_wait3A_23, %dma_wait3A_24] : memref<100000x64xf32, #tpu.memory_space<hbm>> -> memref<128x64xf32, #tpu.memory_space<hbm>>
    tpu.wait_dma2 semaphore(%arg8 : memref<!tpu.dma_semaphore, #tpu.memory_space<semaphore_mem>>) src(%dma_wait3A_25 : memref<128x64xf32, #tpu.memory_space<hbm>>) dst(%arg6 : memref<128x64xf32, #tpu.memory_space<vmem>>)
    %add3A_26 = arith.constant 6144 : i32
    %add3A_27 = arith.addi %multiple_of3A, %add3A_26 : i32
    %shift_right_logical3A = arith.constant 12 : i32
    %shift_right_logical3A_28 = arith.shrui %add3A_27, %shift_right_logical3A : i32
    %and3A = arith.constant 4095 : i32
    %and3A_29 = arith.andi %add3A_27, %and3A : i32
    %multiple_of3A_30 = tpu.assume_multiple %and3A_29, 128 : i32
    "tpu.region"() ({
      %run_scoped3A = tpu.sem_alloc : memref<!tpu.dma_semaphore, #tpu.memory_space<semaphore_mem>>
      %dma_start3A_44 = arith.constant 0 : i32
      %dma_start3A_45 = tpu.memref_slice %arg4[%shift_right_logical3A_28, %multiple_of3A_30, %dma_start3A_44] : memref<50x4096x64xf32, #tpu.memory_space<hbm>> -> memref<1x128x64xf32, #tpu.memory_space<hbm>>
      %dma_start3A_46 = tpu.memref_squeeze %dma_start3A_45 : memref<1x128x64xf32, #tpu.memory_space<hbm>> -> memref<128x64xf32, #tpu.memory_space<hbm>>
      %dma_start3A_47 = arith.constant 0 : i32
      %dma_start3A_48 = tpu.memref_slice %arg4[%shift_right_logical3A_28, %multiple_of3A_30, %dma_start3A_47] : memref<50x4096x64xf32, #tpu.memory_space<hbm>> -> memref<1x128x64xf32, #tpu.memory_space<hbm>>
      %dma_start3A_49 = tpu.memref_squeeze %dma_start3A_48 : memref<1x128x64xf32, #tpu.memory_space<hbm>> -> memref<128x64xf32, #tpu.memory_space<hbm>>
      tpu.enqueue_dma source(%arg6 : memref<128x64xf32, #tpu.memory_space<vmem>>) target(%dma_start3A_49 : memref<128x64xf32, #tpu.memory_space<hbm>>) target_semaphore(%run_scoped3A : memref<!tpu.dma_semaphore, #tpu.memory_space<semaphore_mem>>)
      %dma_wait3A_50 = arith.constant 0 : i32
      %dma_wait3A_51 = tpu.memref_slice %arg4[%shift_right_logical3A_28, %multiple_of3A_30, %dma_wait3A_50] : memref<50x4096x64xf32, #tpu.memory_space<hbm>> -> memref<1x128x64xf32, #tpu.memory_space<hbm>>
      %dma_wait3A_52 = tpu.memref_squeeze %dma_wait3A_51 : memref<1x128x64xf32, #tpu.memory_space<hbm>> -> memref<128x64xf32, #tpu.memory_space<hbm>>
      %dma_wait3A_53 = arith.constant 0 : i32
      %dma_wait3A_54 = tpu.memref_slice %arg4[%shift_right_logical3A_28, %multiple_of3A_30, %dma_wait3A_53] : memref<50x4096x64xf32, #tpu.memory_space<hbm>> -> memref<1x128x64xf32, #tpu.memory_space<hbm>>
      %dma_wait3A_55 = tpu.memref_squeeze %dma_wait3A_54 : memref<1x128x64xf32, #tpu.memory_space<hbm>> -> memref<128x64xf32, #tpu.memory_space<hbm>>
      tpu.wait_dma2 semaphore(%run_scoped3A : memref<!tpu.dma_semaphore, #tpu.memory_space<semaphore_mem>>) src(%arg6 : memref<128x64xf32, #tpu.memory_space<vmem>>) dst(%dma_wait3A_55 : memref<128x64xf32, #tpu.memory_space<hbm>>)
      tpu.yield
    }) : () -> ()
    %dma_wait3A_31 = arith.constant 0 : i32
    %dma_wait3A_32 = arith.constant 0 : i32
    %dma_wait3A_33 = tpu.memref_slice %arg3[%dma_wait3A_31, %dma_wait3A_32] : memref<100000x64xf32, #tpu.memory_space<hbm>> -> memref<128x64xf32, #tpu.memory_space<hbm>>
    %dma_wait3A_34 = arith.constant 0 : i32
    %dma_wait3A_35 = arith.constant 0 : i32
    %dma_wait3A_36 = tpu.memref_slice %arg3[%dma_wait3A_34, %dma_wait3A_35] : memref<100000x64xf32, #tpu.memory_space<hbm>> -> memref<128x64xf32, #tpu.memory_space<hbm>>
    tpu.wait_dma2 semaphore(%arg9 : memref<!tpu.dma_semaphore, #tpu.memory_space<semaphore_mem>>) src(%dma_wait3A_36 : memref<128x64xf32, #tpu.memory_space<hbm>>) dst(%arg7 : memref<128x64xf32, #tpu.memory_space<vmem>>)
    %add3A_37 = arith.constant 6272 : i32
    %add3A_38 = arith.addi %multiple_of3A, %add3A_37 : i32
    %shift_right_logical3A_39 = arith.constant 12 : i32
    %shift_right_logical3A_40 = arith.shrui %add3A_38, %shift_right_logical3A_39 : i32
    %and3A_41 = arith.constant 4095 : i32
    %and3A_42 = arith.andi %add3A_38, %and3A_41 : i32
    %multiple_of3A_43 = tpu.assume_multiple %and3A_42, 128 : i32
    "tpu.region"() ({
      %run_scoped3A = tpu.sem_alloc : memref<!tpu.dma_semaphore, #tpu.memory_space<semaphore_mem>>
      %dma_start3A_44 = arith.constant 0 : i32
      %dma_start3A_45 = tpu.memref_slice %arg4[%shift_right_logical3A_40, %multiple_of3A_43, %dma_start3A_44] : memref<50x4096x64xf32, #tpu.memory_space<hbm>> -> memref<1x128x64xf32, #tpu.memory_space<hbm>>
      %dma_start3A_46 = tpu.memref_squeeze %dma_start3A_45 : memref<1x128x64xf32, #tpu.memory_space<hbm>> -> memref<128x64xf32, #tpu.memory_space<hbm>>
      %dma_start3A_47 = arith.constant 0 : i32
      %dma_start3A_48 = tpu.memref_slice %arg4[%shift_right_logical3A_40, %multiple_of3A_43, %dma_start3A_47] : memref<50x4096x64xf32, #tpu.memory_space<hbm>> -> memref<1x128x64xf32, #tpu.memory_space<hbm>>
      %dma_start3A_49 = tpu.memref_squeeze %dma_start3A_48 : memref<1x128x64xf32, #tpu.memory_space<hbm>> -> memref<128x64xf32, #tpu.memory_space<hbm>>
      tpu.enqueue_dma source(%arg7 : memref<128x64xf32, #tpu.memory_space<vmem>>) target(%dma_start3A_49 : memref<128x64xf32, #tpu.memory_space<hbm>>) target_semaphore(%run_scoped3A : memref<!tpu.dma_semaphore, #tpu.memory_space<semaphore_mem>>)
      %dma_wait3A_50 = arith.constant 0 : i32
      %dma_wait3A_51 = tpu.memref_slice %arg4[%shift_right_logical3A_40, %multiple_of3A_43, %dma_wait3A_50] : memref<50x4096x64xf32, #tpu.memory_space<hbm>> -> memref<1x128x64xf32, #tpu.memory_space<hbm>>
      %dma_wait3A_52 = tpu.memref_squeeze %dma_wait3A_51 : memref<1x128x64xf32, #tpu.memory_space<hbm>> -> memref<128x64xf32, #tpu.memory_space<hbm>>
      %dma_wait3A_53 = arith.constant 0 : i32
      %dma_wait3A_54 = tpu.memref_slice %arg4[%shift_right_logical3A_40, %multiple_of3A_43, %dma_wait3A_53] : memref<50x4096x64xf32, #tpu.memory_space<hbm>> -> memref<1x128x64xf32, #tpu.memory_space<hbm>>
      %dma_wait3A_55 = tpu.memref_squeeze %dma_wait3A_54 : memref<1x128x64xf32, #tpu.memory_space<hbm>> -> memref<128x64xf32, #tpu.memory_space<hbm>>
      tpu.wait_dma2 semaphore(%run_scoped3A : memref<!tpu.dma_semaphore, #tpu.memory_space<semaphore_mem>>) src(%arg7 : memref<128x64xf32, #tpu.memory_space<vmem>>) dst(%dma_wait3A_55 : memref<128x64xf32, #tpu.memory_space<hbm>>)
      tpu.yield
    }) : () -> ()
    return
  }
}

module attributes {stable_mosaic.version = 14 : i64} {
  func.func @_lstm_body(%arg0: i32, %arg1: memref<1x2048x128xf32, #tpu.memory_space<vmem>>, %arg2: memref<256x512xbf16, #tpu.memory_space<vmem>>, %arg3: memref<256x512xbf16, #tpu.memory_space<vmem>>, %arg4: memref<1x512xf32, #tpu.memory_space<vmem>>, %arg5: memref<128x128xbf16, #tpu.memory_space<vmem>>, %arg6: memref<1x128xf32, #tpu.memory_space<vmem>>, %arg7: memref<2x2048x128xf32, #tpu.memory_space<vmem>>, %arg8: memref<2048x128xbf16, #tpu.memory_space<vmem>>, %arg9: memref<2048x128xbf16, #tpu.memory_space<vmem>>, %arg10: memref<2048x128xf32, #tpu.memory_space<vmem>>, %arg11: memref<2048x128xf32, #tpu.memory_space<vmem>>) attributes {dimension_semantics = [#tpu.dimension_semantics<arbitrary>], iteration_bounds = array<i64: 50>, scalar_prefetch = 0 : i64, scratch_operands = 4 : i64, tpu.core_type = #tpu.core_type<tc>, window_params = [{transform_indices = @transform_0, window_bounds = array<i64: 1, 2048, 128>}, {pipeline_mode = #tpu.pipeline_mode<synchronous>, transform_indices = @transform_1, window_bounds = array<i64: 256, 512>}, {pipeline_mode = #tpu.pipeline_mode<synchronous>, transform_indices = @transform_2, window_bounds = array<i64: 256, 512>}, {pipeline_mode = #tpu.pipeline_mode<synchronous>, transform_indices = @transform_3, window_bounds = array<i64: 1, 512>}, {pipeline_mode = #tpu.pipeline_mode<synchronous>, transform_indices = @transform_4, window_bounds = array<i64: 128, 128>}, {pipeline_mode = #tpu.pipeline_mode<synchronous>, transform_indices = @transform_5, window_bounds = array<i64: 1, 128>}, {pipeline_mode = #tpu.pipeline_mode<synchronous>, transform_indices = @transform_6, window_bounds = array<i64: 2, 2048, 128>}]} {
    %eq3A = arith.constant 0 : i32
    %eq3A_0 = arith.cmpi eq, %arg0, %eq3A : i32
    %convert_element_type3A = arith.extui %eq3A_0 : i1 to i32
    %cond3A = arith.constant 0 : i32
    %cond3A_1 = arith.cmpi ne, %convert_element_type3A, %cond3A : i32
    scf.if %cond3A_1 {
      %broadcast_in_dim3A = arith.constant 0.000000e+00 : bf16
      %broadcast_in_dim3A_97 = vector.broadcast %broadcast_in_dim3A : bf16 to vector<2048x128xbf16>
      %swap3A_98 = arith.constant 0 : index
      %swap3A_99 = arith.constant 0 : index
      %swap3A_100 = vector.load %arg8[%swap3A_98, %swap3A_99] : memref<2048x128xbf16, #tpu.memory_space<vmem>>, vector<2048x128xbf16>
      tpu.vector_store %arg8[%swap3A_98, %swap3A_99], %broadcast_in_dim3A_97 {strides = array<i32>} : memref<2048x128xbf16, #tpu.memory_space<vmem>>, vector<2048x128xbf16>,
      %broadcast_in_dim3A_101 = arith.constant 0.000000e+00 : bf16
      %broadcast_in_dim3A_102 = vector.broadcast %broadcast_in_dim3A_101 : bf16 to vector<2048x128xbf16>
      %swap3A_103 = arith.constant 0 : index
      %swap3A_104 = arith.constant 0 : index
      %swap3A_105 = vector.load %arg9[%swap3A_103, %swap3A_104] : memref<2048x128xbf16, #tpu.memory_space<vmem>>, vector<2048x128xbf16>
      tpu.vector_store %arg9[%swap3A_103, %swap3A_104], %broadcast_in_dim3A_102 {strides = array<i32>} : memref<2048x128xbf16, #tpu.memory_space<vmem>>, vector<2048x128xbf16>,
      %broadcast_in_dim3A_106 = arith.constant 0.000000e+00 : f32
      %broadcast_in_dim3A_107 = vector.broadcast %broadcast_in_dim3A_106 : f32 to vector<2048x128xf32>
      %swap3A_108 = arith.constant 0 : index
      %swap3A_109 = arith.constant 0 : index
      %swap3A_110 = vector.load %arg10[%swap3A_108, %swap3A_109] : memref<2048x128xf32, #tpu.memory_space<vmem>>, vector<2048x128xf32>
      tpu.vector_store %arg10[%swap3A_108, %swap3A_109], %broadcast_in_dim3A_107 {strides = array<i32>} : memref<2048x128xf32, #tpu.memory_space<vmem>>, vector<2048x128xf32>,
      %broadcast_in_dim3A_111 = arith.constant 0.000000e+00 : f32
      %broadcast_in_dim3A_112 = vector.broadcast %broadcast_in_dim3A_111 : f32 to vector<2048x128xf32>
      %swap3A_113 = arith.constant 0 : index
      %swap3A_114 = arith.constant 0 : index
      %swap3A_115 = vector.load %arg11[%swap3A_113, %swap3A_114] : memref<2048x128xf32, #tpu.memory_space<vmem>>, vector<2048x128xf32>
      tpu.vector_store %arg11[%swap3A_113, %swap3A_114], %broadcast_in_dim3A_112 {strides = array<i32>} : memref<2048x128xf32, #tpu.memory_space<vmem>>, vector<2048x128xf32>,
    } else {
    }
    %get3A = arith.constant 0 : index
    %get3A_2 = arith.constant 0 : index
    %get3A_3 = arith.constant 0 : index
    %get3A_4 = vector.load %arg1[%get3A, %get3A_2, %get3A_3] : memref<1x2048x128xf32, #tpu.memory_space<vmem>>, vector<1x2048x128xf32>
    %get3A_5 = vector.shape_cast %get3A_4 : vector<1x2048x128xf32> to vector<2048x128xf32>
    %convert_element_type3A_6 = arith.truncf %get3A_5 : vector<2048x128xf32> to vector<2048x128xbf16>
    %get3A_7 = arith.constant 0 : index
    %get3A_8 = arith.constant 0 : index
    %get3A_9 = vector.load %arg8[%get3A_7, %get3A_8] : memref<2048x128xbf16, #tpu.memory_space<vmem>>, vector<2048x128xbf16>
    %concatenate3A = tpu.concatenate %convert_element_type3A_6, %get3A_9 in 1 : vector<2048x128xbf16>, vector<2048x128xbf16> -> vector<2048x256xbf16>
    %get3A_10 = arith.constant 0 : index
    %get3A_11 = arith.constant 0 : index
    %get3A_12 = vector.load %arg2[%get3A_10, %get3A_11] : memref<256x512xbf16, #tpu.memory_space<vmem>>, vector<256x512xbf16>
    %dot_general3A = arith.constant dense<0.000000e+00> : vector<2048x512xf32>
    %dot_general3A_13 = tpu.matmul %concatenate3A, %get3A_12, %dot_general3A {dimension_numbers = #tpu.dot_dimension_numbers<[1], [0], [0], [1], [0, 0, 1, 1], [], []>, transpose_lhs_hint = false} : vector<2048x256xbf16>, vector<256x512xbf16>, vector<2048x512xf32> -> vector<2048x512xf32>
    %get3A_14 = arith.constant 0 : index
    %get3A_15 = arith.constant 0 : index
    %get3A_16 = vector.load %arg4[%get3A_14, %get3A_15] : memref<1x512xf32, #tpu.memory_space<vmem>>, vector<1x512xf32>
    %add3A = vector.broadcast %get3A_16 : vector<1x512xf32> to vector<2048x512xf32>
    %add3A_17 = arith.addf %dot_general3A_13, %add3A : vector<2048x512xf32>
    %slice3A = vector.extract_strided_slice %add3A_17 {offsets = [0, 0], sizes = [2048, 128], strides = [1, 1]} : vector<2048x512xf32> to vector<2048x128xf32>
    %tanh3A = math.tanh %slice3A : vector<2048x128xf32>
    %slice3A_18 = vector.extract_strided_slice %add3A_17 {offsets = [0, 128], sizes = [2048, 128], strides = [1, 1]} : vector<2048x512xf32> to vector<2048x128xf32>
    %tanh3A_19 = math.tanh %slice3A_18 : vector<2048x128xf32>
    %slice3A_20 = vector.extract_strided_slice %add3A_17 {offsets = [0, 256], sizes = [2048, 128], strides = [1, 1]} : vector<2048x512xf32> to vector<2048x128xf32>
    %tanh3A_21 = math.tanh %slice3A_20 : vector<2048x128xf32>
    %slice3A_22 = vector.extract_strided_slice %add3A_17 {offsets = [0, 384], sizes = [2048, 128], strides = [1, 1]} : vector<2048x512xf32> to vector<2048x128xf32>
    %tanh3A_23 = math.tanh %slice3A_22 : vector<2048x128xf32>
    %get3A_24 = arith.constant 0 : index
    %get3A_25 = arith.constant 0 : index
    %get3A_26 = vector.load %arg10[%get3A_24, %get3A_25] : memref<2048x128xf32, #tpu.memory_space<vmem>>, vector<2048x128xf32>
    %mul3A = arith.mulf %tanh3A_19, %get3A_26 : vector<2048x128xf32>
    %add3A_27 = arith.addf %mul3A, %get3A_26 : vector<2048x128xf32>
    %mul3A_28 = arith.mulf %tanh3A, %tanh3A_21 : vector<2048x128xf32>
    %add3A_29 = arith.addf %mul3A_28, %tanh3A_21 : vector<2048x128xf32>
    %add3A_30 = arith.addf %add3A_27, %add3A_29 : vector<2048x128xf32>
    %mul3A_31 = arith.constant 5.000000e-01 : f32
    %mul3A_32 = vector.broadcast %mul3A_31 : f32 to vector<2048x128xf32>
    %mul3A_33 = arith.mulf %mul3A_32, %add3A_30 : vector<2048x128xf32>
    %tanh3A_34 = math.tanh %mul3A_33 : vector<2048x128xf32>
    %mul3A_35 = arith.mulf %tanh3A_23, %tanh3A_34 : vector<2048x128xf32>
    %add3A_36 = arith.addf %mul3A_35, %tanh3A_34 : vector<2048x128xf32>
    %mul3A_37 = arith.constant 5.000000e-01 : f32
    %mul3A_38 = vector.broadcast %mul3A_37 : f32 to vector<2048x128xf32>
    %mul3A_39 = arith.mulf %mul3A_38, %add3A_36 : vector<2048x128xf32>
    %swap3A = arith.constant 0 : index
    %swap3A_40 = arith.constant 0 : index
    %swap3A_41 = vector.load %arg10[%swap3A, %swap3A_40] : memref<2048x128xf32, #tpu.memory_space<vmem>>, vector<2048x128xf32>
    tpu.vector_store %arg10[%swap3A, %swap3A_40], %mul3A_33 {strides = array<i32>} : memref<2048x128xf32, #tpu.memory_space<vmem>>, vector<2048x128xf32>,
    %convert_element_type3A_42 = arith.truncf %mul3A_39 : vector<2048x128xf32> to vector<2048x128xbf16>
    %swap3A_43 = arith.constant 0 : index
    %swap3A_44 = arith.constant 0 : index
    %swap3A_45 = vector.load %arg8[%swap3A_43, %swap3A_44] : memref<2048x128xbf16, #tpu.memory_space<vmem>>, vector<2048x128xbf16>
    tpu.vector_store %arg8[%swap3A_43, %swap3A_44], %convert_element_type3A_42 {strides = array<i32>} : memref<2048x128xbf16, #tpu.memory_space<vmem>>, vector<2048x128xbf16>,
    %get3A_46 = arith.constant 0 : index
    %get3A_47 = arith.constant 0 : index
    %get3A_48 = vector.load %arg9[%get3A_46, %get3A_47] : memref<2048x128xbf16, #tpu.memory_space<vmem>>, vector<2048x128xbf16>
    %concatenate3A_49 = tpu.concatenate %convert_element_type3A_6, %get3A_48 in 1 : vector<2048x128xbf16>, vector<2048x128xbf16> -> vector<2048x256xbf16>
    %get3A_50 = arith.constant 0 : index
    %get3A_51 = arith.constant 0 : index
    %get3A_52 = vector.load %arg3[%get3A_50, %get3A_51] : memref<256x512xbf16, #tpu.memory_space<vmem>>, vector<256x512xbf16>
    %dot_general3A_53 = arith.constant dense<0.000000e+00> : vector<2048x512xf32>
    %dot_general3A_54 = tpu.matmul %concatenate3A_49, %get3A_52, %dot_general3A_53 {dimension_numbers = #tpu.dot_dimension_numbers<[1], [0], [0], [1], [0, 0, 1, 1], [], []>, transpose_lhs_hint = false} : vector<2048x256xbf16>, vector<256x512xbf16>, vector<2048x512xf32> -> vector<2048x512xf32>
    %get3A_55 = arith.constant 0 : index
    %get3A_56 = arith.constant 0 : index
    %get3A_57 = vector.load %arg4[%get3A_55, %get3A_56] : memref<1x512xf32, #tpu.memory_space<vmem>>, vector<1x512xf32>
    %add3A_58 = vector.broadcast %get3A_57 : vector<1x512xf32> to vector<2048x512xf32>
    %add3A_59 = arith.addf %dot_general3A_54, %add3A_58 : vector<2048x512xf32>
    %slice3A_60 = vector.extract_strided_slice %add3A_59 {offsets = [0, 0], sizes = [2048, 128], strides = [1, 1]} : vector<2048x512xf32> to vector<2048x128xf32>
    %tanh3A_61 = math.tanh %slice3A_60 : vector<2048x128xf32>
    %slice3A_62 = vector.extract_strided_slice %add3A_59 {offsets = [0, 128], sizes = [2048, 128], strides = [1, 1]} : vector<2048x512xf32> to vector<2048x128xf32>
    %tanh3A_63 = math.tanh %slice3A_62 : vector<2048x128xf32>
    %slice3A_64 = vector.extract_strided_slice %add3A_59 {offsets = [0, 256], sizes = [2048, 128], strides = [1, 1]} : vector<2048x512xf32> to vector<2048x128xf32>
    %tanh3A_65 = math.tanh %slice3A_64 : vector<2048x128xf32>
    %slice3A_66 = vector.extract_strided_slice %add3A_59 {offsets = [0, 384], sizes = [2048, 128], strides = [1, 1]} : vector<2048x512xf32> to vector<2048x128xf32>
    %tanh3A_67 = math.tanh %slice3A_66 : vector<2048x128xf32>
    %get3A_68 = arith.constant 0 : index
    %get3A_69 = arith.constant 0 : index
    %get3A_70 = vector.load %arg11[%get3A_68, %get3A_69] : memref<2048x128xf32, #tpu.memory_space<vmem>>, vector<2048x128xf32>
    %mul3A_71 = arith.mulf %tanh3A_63, %get3A_70 : vector<2048x128xf32>
    %add3A_72 = arith.addf %mul3A_71, %get3A_70 : vector<2048x128xf32>
    %mul3A_73 = arith.mulf %tanh3A_61, %tanh3A_65 : vector<2048x128xf32>
    %add3A_74 = arith.addf %mul3A_73, %tanh3A_65 : vector<2048x128xf32>
    %add3A_75 = arith.addf %add3A_72, %add3A_74 : vector<2048x128xf32>
    %mul3A_76 = arith.constant 5.000000e-01 : f32
    %mul3A_77 = vector.broadcast %mul3A_76 : f32 to vector<2048x128xf32>
    %mul3A_78 = arith.mulf %mul3A_77, %add3A_75 : vector<2048x128xf32>
    %tanh3A_79 = math.tanh %mul3A_78 : vector<2048x128xf32>
    %mul3A_80 = arith.mulf %tanh3A_67, %tanh3A_79 : vector<2048x128xf32>
    %add3A_81 = arith.addf %mul3A_80, %tanh3A_79 : vector<2048x128xf32>
    %mul3A_82 = arith.constant 5.000000e-01 : f32
    %mul3A_83 = vector.broadcast %mul3A_82 : f32 to vector<2048x128xf32>
    %mul3A_84 = arith.mulf %mul3A_83, %add3A_81 : vector<2048x128xf32>
    %swap3A_85 = arith.constant 0 : index
    %swap3A_86 = arith.constant 0 : index
    %swap3A_87 = vector.load %arg11[%swap3A_85, %swap3A_86] : memref<2048x128xf32, #tpu.memory_space<vmem>>, vector<2048x128xf32>
    tpu.vector_store %arg11[%swap3A_85, %swap3A_86], %mul3A_78 {strides = array<i32>} : memref<2048x128xf32, #tpu.memory_space<vmem>>, vector<2048x128xf32>,
    %convert_element_type3A_88 = arith.truncf %mul3A_84 : vector<2048x128xf32> to vector<2048x128xbf16>
    %swap3A_89 = arith.constant 0 : index
    %swap3A_90 = arith.constant 0 : index
    %swap3A_91 = vector.load %arg9[%swap3A_89, %swap3A_90] : memref<2048x128xbf16, #tpu.memory_space<vmem>>, vector<2048x128xbf16>
    tpu.vector_store %arg9[%swap3A_89, %swap3A_90], %convert_element_type3A_88 {strides = array<i32>} : memref<2048x128xbf16, #tpu.memory_space<vmem>>, vector<2048x128xbf16>,
    %eq3A_92 = arith.constant 49 : i32
    %eq3A_93 = arith.cmpi eq, %arg0, %eq3A_92 : i32
    %convert_element_type3A_94 = arith.extui %eq3A_93 : i1 to i32
    %cond3A_95 = arith.constant 0 : i32
    %cond3A_96 = arith.cmpi ne, %convert_element_type3A_94, %cond3A_95 : i32
    scf.if %cond3A_96 {
      %get3A_97 = arith.constant 0 : index
      %get3A_98 = arith.constant 0 : index
      %get3A_99 = vector.load %arg8[%get3A_97, %get3A_98] : memref<2048x128xbf16, #tpu.memory_space<vmem>>, vector<2048x128xbf16>
      %get3A_100 = arith.constant 0 : index
      %get3A_101 = arith.constant 0 : index
      %get3A_102 = vector.load %arg5[%get3A_100, %get3A_101] : memref<128x128xbf16, #tpu.memory_space<vmem>>, vector<128x128xbf16>
      %dot_general3A_103 = arith.constant dense<0.000000e+00> : vector<2048x128xf32>
      %dot_general3A_104 = tpu.matmul %get3A_99, %get3A_102, %dot_general3A_103 {dimension_numbers = #tpu.dot_dimension_numbers<[1], [0], [0], [1], [0, 0, 1, 1], [], []>, transpose_lhs_hint = false} : vector<2048x128xbf16>, vector<128x128xbf16>, vector<2048x128xf32> -> vector<2048x128xf32>
      %get3A_105 = arith.constant 0 : index
      %get3A_106 = arith.constant 0 : index
      %get3A_107 = vector.load %arg6[%get3A_105, %get3A_106] : memref<1x128xf32, #tpu.memory_space<vmem>>, vector<1x128xf32>
      %add3A_108 = vector.broadcast %get3A_107 : vector<1x128xf32> to vector<2048x128xf32>
      %add3A_109 = arith.addf %dot_general3A_104, %add3A_108 : vector<2048x128xf32>
      %reduce_max3A = arith.constant dense<0xFF800000> : vector<2048xf32>
      %reduce_max3A_110 = vector.multi_reduction <maximumf>, %add3A_109, %reduce_max3A [1] : vector<2048x128xf32> to vector<2048xf32>
      %broadcast_in_dim3A = vector.shape_cast %reduce_max3A_110 : vector<2048xf32> to vector<2048x1xf32>
      %sub3A = vector.broadcast %broadcast_in_dim3A : vector<2048x1xf32> to vector<2048x128xf32>
      %sub3A_111 = arith.subf %add3A_109, %sub3A : vector<2048x128xf32>
      %exp3A = math.exp %sub3A_111 : vector<2048x128xf32>
      %reduce_sum3A = arith.constant dense<0.000000e+00> : vector<2048xf32>
      %reduce_sum3A_112 = vector.multi_reduction <add>, %exp3A, %reduce_sum3A [1] : vector<2048x128xf32> to vector<2048xf32>
      %broadcast_in_dim3A_113 = vector.shape_cast %reduce_sum3A_112 : vector<2048xf32> to vector<2048x1xf32>
      %div3A = vector.broadcast %broadcast_in_dim3A_113 : vector<2048x1xf32> to vector<2048x128xf32>
      %div3A_114 = arith.divf %exp3A, %div3A : vector<2048x128xf32>
      %swap3A_115 = arith.constant 0 : index
      %swap3A_116 = arith.constant 0 : index
      %swap3A_117 = arith.constant 0 : index
      %swap3A_118 = vector.load %arg7[%swap3A_115, %swap3A_116, %swap3A_117] : memref<2x2048x128xf32, #tpu.memory_space<vmem>>, vector<1x2048x128xf32>
      %swap3A_119 = vector.shape_cast %swap3A_118 : vector<1x2048x128xf32> to vector<2048x128xf32>
      %swap3A_120 = vector.shape_cast %div3A_114 : vector<2048x128xf32> to vector<1x2048x128xf32>
      tpu.vector_store %arg7[%swap3A_115, %swap3A_116, %swap3A_117], %swap3A_120 {strides = array<i32>} : memref<2x2048x128xf32, #tpu.memory_space<vmem>>, vector<1x2048x128xf32>,
      %get3A_121 = arith.constant 0 : index
      %get3A_122 = arith.constant 0 : index
      %get3A_123 = vector.load %arg9[%get3A_121, %get3A_122] : memref<2048x128xbf16, #tpu.memory_space<vmem>>, vector<2048x128xbf16>
      %get3A_124 = arith.constant 0 : index
      %get3A_125 = arith.constant 0 : index
      %get3A_126 = vector.load %arg5[%get3A_124, %get3A_125] : memref<128x128xbf16, #tpu.memory_space<vmem>>, vector<128x128xbf16>
      %dot_general3A_127 = arith.constant dense<0.000000e+00> : vector<2048x128xf32>
      %dot_general3A_128 = tpu.matmul %get3A_123, %get3A_126, %dot_general3A_127 {dimension_numbers = #tpu.dot_dimension_numbers<[1], [0], [0], [1], [0, 0, 1, 1], [], []>, transpose_lhs_hint = false} : vector<2048x128xbf16>, vector<128x128xbf16>, vector<2048x128xf32> -> vector<2048x128xf32>
      %get3A_129 = arith.constant 0 : index
      %get3A_130 = arith.constant 0 : index
      %get3A_131 = vector.load %arg6[%get3A_129, %get3A_130] : memref<1x128xf32, #tpu.memory_space<vmem>>, vector<1x128xf32>
      %add3A_132 = vector.broadcast %get3A_131 : vector<1x128xf32> to vector<2048x128xf32>
      %add3A_133 = arith.addf %dot_general3A_128, %add3A_132 : vector<2048x128xf32>
      %reduce_max3A_134 = arith.constant dense<0xFF800000> : vector<2048xf32>
      %reduce_max3A_135 = vector.multi_reduction <maximumf>, %add3A_133, %reduce_max3A_134 [1] : vector<2048x128xf32> to vector<2048xf32>
      %broadcast_in_dim3A_136 = vector.shape_cast %reduce_max3A_135 : vector<2048xf32> to vector<2048x1xf32>
      %sub3A_137 = vector.broadcast %broadcast_in_dim3A_136 : vector<2048x1xf32> to vector<2048x128xf32>
      %sub3A_138 = arith.subf %add3A_133, %sub3A_137 : vector<2048x128xf32>
      %exp3A_139 = math.exp %sub3A_138 : vector<2048x128xf32>
      %reduce_sum3A_140 = arith.constant dense<0.000000e+00> : vector<2048xf32>
      %reduce_sum3A_141 = vector.multi_reduction <add>, %exp3A_139, %reduce_sum3A_140 [1] : vector<2048x128xf32> to vector<2048xf32>
      %broadcast_in_dim3A_142 = vector.shape_cast %reduce_sum3A_141 : vector<2048xf32> to vector<2048x1xf32>
      %div3A_143 = vector.broadcast %broadcast_in_dim3A_142 : vector<2048x1xf32> to vector<2048x128xf32>
      %div3A_144 = arith.divf %exp3A_139, %div3A_143 : vector<2048x128xf32>
      %swap3A_145 = arith.constant 1 : index
      %swap3A_146 = arith.constant 0 : index
      %swap3A_147 = arith.constant 0 : index
      %swap3A_148 = vector.load %arg7[%swap3A_145, %swap3A_146, %swap3A_147] : memref<2x2048x128xf32, #tpu.memory_space<vmem>>, vector<1x2048x128xf32>
      %swap3A_149 = vector.shape_cast %swap3A_148 : vector<1x2048x128xf32> to vector<2048x128xf32>
      %swap3A_150 = vector.shape_cast %div3A_144 : vector<2048x128xf32> to vector<1x2048x128xf32>
      tpu.vector_store %arg7[%swap3A_145, %swap3A_146, %swap3A_147], %swap3A_150 {strides = array<i32>} : memref<2x2048x128xf32, #tpu.memory_space<vmem>>, vector<1x2048x128xf32>,
    } else {
    }
    return
  }
  func.func @transform_0(%arg0: i32) -> (i32, i32, i32) {
    %c0_i32 = arith.constant 0 : i32
    %c0_i32_0 = arith.constant 0 : i32
    %c0_i32_1 = arith.constant 0 : i32
    return %arg0, %c0_i32, %c0_i32_0 : i32, i32, i32
  }
  func.func @transform_1(%arg0: i32) -> (i32, i32) {
    %c0_i32 = arith.constant 0 : i32
    %c0_i32_0 = arith.constant 0 : i32
    %c0_i32_1 = arith.constant 0 : i32
    return %c0_i32, %c0_i32_0 : i32, i32
  }
  func.func @transform_2(%arg0: i32) -> (i32, i32) {
    %c0_i32 = arith.constant 0 : i32
    %c0_i32_0 = arith.constant 0 : i32
    %c0_i32_1 = arith.constant 0 : i32
    return %c0_i32, %c0_i32_0 : i32, i32
  }
  func.func @transform_3(%arg0: i32) -> (i32, i32) {
    %c0_i32 = arith.constant 0 : i32
    %c0_i32_0 = arith.constant 0 : i32
    %c0_i32_1 = arith.constant 0 : i32
    return %c0_i32, %c0_i32_0 : i32, i32
  }
  func.func @transform_4(%arg0: i32) -> (i32, i32) {
    %c0_i32 = arith.constant 0 : i32
    %c0_i32_0 = arith.constant 0 : i32
    %c0_i32_1 = arith.constant 0 : i32
    return %c0_i32, %c0_i32_0 : i32, i32
  }
  func.func @transform_5(%arg0: i32) -> (i32, i32) {
    %c0_i32 = arith.constant 0 : i32
    %c0_i32_0 = arith.constant 0 : i32
    %c0_i32_1 = arith.constant 0 : i32
    return %c0_i32, %c0_i32_0 : i32, i32
  }
  func.func @transform_6(%arg0: i32) -> (i32, i32, i32) {
    %c0_i32 = arith.constant 0 : i32
    %c0_i32_0 = arith.constant 0 : i32
    %c0_i32_1 = arith.constant 0 : i32
    %c0_i32_2 = arith.constant 0 : i32
    return %c0_i32, %c0_i32_0, %c0_i32_1 : i32, i32, i32
  }
}

</mosaic_0001>

<sc_bundles>
// kernel: kernel.4.cloned.1.call-start
scs
__scs_entry_jumppad:
0x0: {  	(pc) =	sbr.rel $0x88, $3  }
0x1: {  	(tag) =	ssettag $0x0;
	lr =	simm.s32 $0x1  }
0x2: {  	[smem:$0x3F99] =	sst lr;
	_ =	strace $0xD0000000  }
0x3: {  	_ = 	snop  }
0x4: {  	_ = 	snop  }
0x5: {  	_ = 	snop  }
0x6: {  	_ = 	snop  }
0x7: {  	_ = 	snop  }
__scs_overlays_trampoline_lowered:
0x8: {  	[smem:$0x3FA8] =	sst s0  }
0x9: {  	[smem:$0x3FA9] =	sst s1  }
0xa: {  	[smem:$0x3FAA] =	sst s2  }
0xb: {  	[smem:$0x3FAB] =	sst s3  }
0xc: {  	[smem:$0x3FAC] =	sst s4  }
0xd: {  	[smem:$0x3FAD] =	sst s5  }
0xe: {  	[smem:$0x3FAE] =	sst s6  }
0xf: {  	[smem:$0x3FAF] =	sst s7  }
0x10: {  	[smem:$0x3FB0] =	sst s8  }
0x11: {  	[smem:$0x3FB1] =	sst s9;
	s0 =	simm.s32 @!p0 $0x0  }
0x12: {  	s1 =	sld [smem:$0x3F97];
	s0 =	simm.s32 @p0 $0x1  }
0x13: {  	[smem:$0x3FB2] =	sst s0;
	s0 =	simm.s32 @!p1 $0x0  }
0x14: {  	s2 =	sld [smem:$0x3F96];
	s0 =	simm.s32 @p1 $0x1  }
0x15: {  	[smem:$0x3FB3] =	sst s0;
	s0 =	simm.s32 @!p2 $0x0  }
0x16: {  	s3 =	sld [smem:$0x3FDB];
	s0 =	simm.s32 @p2 $0x1  }
0x17: {  	s4 =	simm.s32 $0x1BF5;
	[smem:$0x3FB5] =	sst s0  }
0x18: {  	s0 =	sld [smem:$0x3F98];
	_ =	swait.ge [sflag:s4], $0x0  }
0x19: {  	s7 =	sld [smem:$0x3F99]  }
0x1a: {  	s8 =	sadd.s32 $0xFFFFE003, lr  }
0x1b: {  	s9 =	sadd.s32 $0xFFFFFEF7, lr;
	s5 =	simm.s32 $0xFFFFFFFF;
	p2 =	slt.u32 s8, $0xFFFFF086  }
0x1c: {  	p1 =	slt.u32 s9, $0xF7A;
	s5 =	simm.s32 @!p2 $0x0  }
0x1d: {  	s5 =	simm.s32 @p1 $0x1;
	p0 =	seq.s32 s7, s2  }
0x1e: {  	s7 =	smul.u32 @!p0 $0xF7A, s2;
	p2 =	seq.s32 @!p0 s5, $0x0  }
0x1f: {  	s9 =	smul.u32 $0xF7A, s1;
	s8 =	simm.s32 @!p0 $0x1BF5;
	p2 =	por !p2, p0  }
0x20: {  	[sflag:s8] =	ssyncset.s32 @!p0 $0xFFFFF086;
	s6 =	sadd.s32 @!p0 s3, s7;
	s7 =	simm.s32 @!p0 $0x108  }
0x21: {  	s3 =	sadd.s32 s3, s9;
	s6 =	sadd.s32 @!p0 $0x88, s6;
	s7 =	simm.s32 @p2 $0x1082  }
0x22: {  	[simem:s7], [sflag:s8] =	dma.local @!p0 [hbm:s6], $0xF7A  }
0x23: {  	s9 =	sor.u32 $0xD0000000, s2;
	s6 =	simm.s32 $0x108;
	_ =	swait.ge @!p0 [sflag:s8], $0x0  }
0x24: {  	s3 =	sadd.s32 $0x88, s3;
	s6 =	simm.s32 @!p1 $0x1082;
	[sflag:s4] =	ssyncset.s32 $0xFFFFF086  }
0x25: {  	[simem:s6], [sflag:s4] =	dma.local [hbm:s3], $0xF7A  }
0x26: {  	[smem:$0x3F99] =	sst s1;
	(tag) =	ssettag s2;
	_ =	strace s9  }
0x27: {  	s1 =	sld [smem:$0x3FA9]  }
0x28: {  	s2 =	sld [smem:$0x3FAA]  }
0x29: {  	s4 =	sld [smem:$0x3FAC]  }
0x2a: {  	p0 =	seq.s32 s5, $0x0;
	s5 =	sld [smem:$0x3FAD]  }
0x2b: {  	s6 =	sld [smem:$0x3FAE]  }
0x2c: {  	s7 =	sld [smem:$0x3FAF]  }
0x2d: {  	s3 =	simm.s32 $0x108;
	s8 =	sld [smem:$0x3FB0]  }
0x2e: {  	s3 =	simm.s32 @!p0 $0x1082;
	s9 =	sld [smem:$0x3FB1]  }
0x2f: {  	lr =	sadd.s32 s0, s3;
	s0 =	sld [smem:$0x3FA8]  }
0x30: {  	s3 =	sld [smem:$0x3FAB]  }
0x31: {  	[smem:$0x3FB4] =	sst s10  }
0x32: {  	s10 =	sld [smem:$0x3FB2];
	_ =	sdelay $0x3  }
0x33: {  	p0 =	seq.s32 s10, $0x1;
	s10 =	sld [smem:$0x3FB4];
	_ =	sdelay $0x3  }
0x34: {  	[smem:$0x3FB4] =	sst s10  }
0x35: {  	s10 =	sld [smem:$0x3FB3];
	_ =	sdelay $0x3  }
0x36: {  	p1 =	seq.s32 s10, $0x1;
	s10 =	sld [smem:$0x3FB4];
	_ =	sdelay $0x3  }
0x37: {  	[smem:$0x3FB4] =	sst s10  }
0x38: {  	s10 =	sld [smem:$0x3FB5]  }
0x39: {  	_ = 	snop;
	(pc) =	sbr.ind lr, $3  }
0x3a: {  	_ = 	snop  }
0x3b: {  	_ = 	snop  }
0x3c: {  	p2 =	seq.s32 s10, $0x1;
	s10 =	sld [smem:$0x3FB4]  }
0x3d: {  	_ =	shalt  }
0x3e: {  	_ =	shalt  }
0x3f: {  	_ =	shalt  }
0x40: {  	_ =	shalt  }
0x41: {  	_ =	shalt  }
0x42: {  	_ =	shalt  }
0x43: {  	_ =	shalt  }
0x44: {  	_ =	shalt  }
0x45: {  	_ =	shalt  }
0x46: {  	_ =	shalt  }
0x47: {  	_ =	shalt  }
0x48: {  	_ =	shalt  }
0x49: {  	_ =	shalt  }
0x4a: {  	_ =	shalt  }
0x4b: {  	_ =	shalt  }
0x4c: {  	_ =	shalt  }
0x4d: {  	_ =	shalt  }
0x4e: {  	_ =	shalt  }
0x4f: {  	_ =	shalt  }
0x50: {  	_ =	shalt  }
0x51: {  	_ =	shalt  }
0x52: {  	_ =	shalt  }
0x53: {  	_ =	shalt  }
0x54: {  	_ =	shalt  }
0x55: {  	_ =	shalt  }
0x56: {  	_ =	shalt  }
0x57: {  	_ =	shalt  }
0x58: {  	_ =	shalt  }
0x59: {  	_ =	shalt  }
0x5a: {  	_ =	shalt  }
0x5b: {  	_ =	shalt  }
0x5c: {  	_ =	shalt  }
0x5d: {  	_ =	shalt  }
0x5e: {  	_ =	shalt  }
0x5f: {  	_ =	shalt  }
0x60: {  	_ =	shalt  }
0x61: {  	_ =	shalt  }
0x62: {  	_ =	shalt  }
0x63: {  	_ =	shalt  }
0x64: {  	_ =	shalt  }
0x65: {  	_ =	shalt  }
0x66: {  	_ =	shalt  }
0x67: {  	_ =	shalt  }
0x68: {  	_ =	shalt  }
0x69: {  	_ =	shalt  }
0x6a: {  	_ =	shalt  }
0x6b: {  	_ =	shalt  }
0x6c: {  	_ =	shalt  }
0x6d: {  	_ =	shalt  }
0x6e: {  	_ =	shalt  }
0x6f: {  	_ =	shalt  }
0x70: {  	_ =	shalt  }
0x71: {  	_ =	shalt  }
0x72: {  	_ =	shalt  }
0x73: {  	_ =	shalt  }
0x74: {  	_ =	shalt  }
0x75: {  	_ =	shalt  }
0x76: {  	_ =	shalt  }
0x77: {  	_ =	shalt  }
0x78: {  	_ =	shalt  }
0x79: {  	_ =	shalt  }
0x7a: {  	_ =	shalt  }
0x7b: {  	_ =	shalt  }
0x7c: {  	_ =	shalt  }
0x7d: {  	_ =	shalt  }
0x7e: {  	_ =	shalt  }
0x7f: {  	_ =	shalt  }
0x80: {  	_ =	shalt  }
0x81: {  	_ =	shalt  }
0x82: {  	_ =	shalt  }
0x83: {  	_ =	shalt  }
0x84: {  	_ =	shalt  }
0x85: {  	_ =	shalt  }
0x86: {  	_ =	shalt  }
0x87: {  	_ =	shalt  }
.Lfunc_end0:
.L_simem_size_0:
called_computation_lowered:
.L_overlay_start_0:
0x88: {  	s2 =	sld [smem:$0x3FD9]  }
0x89: {  	s3 =	sld [smem:$0x3FFE];
	_ =	sdelay $0x1  }
0x8a: {  	s1 =	srdreg.scid  }
0x8b: {  	s0 =	sand.u32 $0x1, s1  }
0x8c: {  	s16 =	sshll.u32 s0, $0xA;
	s2 =	sadd.s32 s3, s2  }
0x8d: {  	s2 =	sadd.s32 s2, s16  }
0x8e: {  	[smem:$0x3FC0] =	sst s2  }
0x8f: {  	_ = 	snop  }
0x90: {  	(tm) =	ssettm $0x1  }
0x91: {  	s17 =	sld [smem:$0x3FFB];
	_ =	sdelay $0x3  }
0x92: {  	_ =	strace s17  }
0x93: {  	s2 =	sld [smem:$0x3FFC];
	_ =	sdelay $0x3  }
0x94: {  	_ =	strace s2  }
0x95: {  	s2 =	sld [smem:$0x3FFD];
	_ =	sdelay $0x3  }
0x96: {  	_ =	strace s2  }
0x97: {  	_ =	strace $0x8FFFFFFF  }
0x98: {  	s18 =	sld [smem:$0x3FDB];
	_ =	sdelay $0x1  }
0x99: {  	s19 =	simm.s32 $_scs_section_size  }
0x9a: {  	s4 =	simm.s32 $_size__tile_overlayer_lowered;
	s5 =	simm.s32 $_tile_overlayer_lowered  }
0x9b: {  	s22 =	simm.s32 $0x1BFF;
	s21 =	sshll.u32 s5, $0x1;
	s2 =	sadd.s32 s19, s18  }
0x9c: {  	s6 =	simm.s32 $0x0;
	s20 =	sshll.u32 s4, $0x1;
	s4 =	sadd.s32 s21, s2  }
0x9d: {  	[timem:s6], [sflag:s22] =	dma.local [hbm:s4], s20  }
0x9e: {  	_ =	swait.ge [sflag:s22], s20  }
0x9f: {  	s3 =	ssub.s32 $0x0, s20;
	[sflag:s22] =	ssyncset.done $0x0  }
0xa0: {  	[sflag:s22] =	ssyncadd.s32 s3;
	_ =	sdelay $0x1  }
0xa1: {  	s23 =	simm.s32 $0x1B8B  }
0xa2: {  	_ =	swait.ge [sflag:s23], $0x1  }
0xa3: {  	[sflag:s23] =	ssyncset.done $0x0  }
0xa4: {  	s25 =	simm.s32 $0x1B8E;
	s24 =	sld [smem:$0x3FFE];
	[sflag:s23] =	ssyncadd.s32 $0xFFFFFFFF  }
0xa5: {  	s26 =	simm.s32 $execute0_lowered;
	[smem:$0x3FD2] =	sst s25  }
0xa6: {  	s4 =	sshll.u32 s26, $0x1;
	_ =	strace $0x80000046;
	[dreg:$0x1] =	wrdreg $0xFFFFFFFF  }
0xa7: {  	s28 =	simm.s32 $_size_execute0_lowered;
	s2 =	sadd.s32 s2, s4;
	[dreg:$0x0] =	wrdreg $0x0  }
0xa8: {  	s4 =	sshll.u32 s28, $0x1;
	[dreg:$0x2] =	wrdreg s2  }
0xa9: {  	[dreg:$0x3] =	wrdreg s4  }
0xaa: {  	[dreg:$0x4] =	wrdreg $0xC0  }
0xab: {  	_ =	task [dreg:s6], $0x5FFFF  }
0xac: {  	[dreg:$0x1] =	wrdreg $0xFFFFFFFF  }
0xad: {  	[dreg:$0x0] =	wrdreg $0x60  }
0xae: {  	[dreg:$0x2] =	wrdreg s24  }
0xaf: {  	[dreg:$0x3] =	wrdreg $0x9  }
0xb0: {  	_ =	task.clear_ibuf [dreg:s6], $0x4FFFF;
	_ =	strace $0x90000046  }
0xb1: {  	s29 =	simm.s32 $0x9;
	_ =	strace $0x80000048  }
0xb2: {  	_ =	swait.ge [sflag:s29], $0x1  }
0xb3: {  	[sflag:s29] =	ssyncadd.s32 $0xFFFFFFFF  }
0xb4: {  	_ =	strace $0x90000048  }
0xb5: {  	_ =	sfence  }
0xb6: {  	s30 =	sld [smem:$0x0];
	_ =	sdelay $0x2  }
0xb7: {  	s31 =	sshll.u32 s1, $0xD;
	s1 =	sshrl.u32 s1, $0x2  }
0xb8: {  	s3 =	sand.u32 $0x4000, s31;
	s1 =	sadd.s32 s1, s30  }
0xb9: {  	s0 =	sor.u32 s3, s0;
	s1 =	sshll.u32 s1, $0x11  }
0xba: {  	s0 =	sor.u32 s1, s0  }
0xbb: {  	s0 =	sadd.s32 $0x8F2B, s0  }
0xbc: {  	[sflag:s0] =	ssyncadd.remote.s32 $0x1  }
0xbd: {  	_ =	sfence.sel $0xFFFF  }
0xbe: {  	[dreg:$0x0] =	wrdreg $0xFFFFFFFF;
	(pc) =	sbr.abs _section_cstart, $3  }
0xbf: {  	[dreg:$0x1] =	wrdreg $0xFFFFFFFF  }
0xc0: {  	_ =	task.clear_ibuf [dreg:s6], $0x2FFFF;
	_ =	strace $0x9FFFFFFF  }
0xc1: {  	(tm) =	ssettm $0x7FFFFFFF  }
tec
execute0_lowered:
.L_overlay_start_1:
0x0: {  	(tag) =	ssettag $0x1  }
0x1: {  	s1 =	srdreg.scid  }
0x2: {  	s0 =	stileid.u32;
	s5 =	rddreg [dreg:$0x0];
	s2 =	simm.s32 $0x0  }
0x3: {  	s14 =	simm.s32 $0x1;
	s15 =	simm.s32 $0x2;
	s10 =	smul.u32 $0x3200, s0  }
0x4: {  	s16 =	simm.s32 $0x1880;
	s6 =	sand.u32 $0x1, s1;
	s12 =	smul.u32 $0x19000, s0  }
0x5: {  	s17 =	simm.s32 $0x0;
	s26 =	sshll.u32 s0, $0x1;
	s11 =	smul.u32 $0x1900, s6  }
0x6: {  	s1 =	rddreg [dreg:$0x1];
	s4 =	sor.u32 s6, s26;
	s13 =	smul.u32 $0xC800, s6  }
0x7: {  	[smem:$0x7FF] =	sst s2;
	s9 =	sadd.s32 $0x251400, s5;
	s3 =	smul.u32 $0x1900, s4  }
0x8: {  	_ =	strace $0x80000047;
	s8 =	ssub.s32 $0x2, s6;
	s4 =	smul.u32 $0x64000, s4  }
0x9: {  	s28 =	sshrl.u32 s8, $0x1;
	s31 =	sadd.s32 s12, s9;
	s12 =	simm.s32 $0x1900  }
0xa: {  	s8 =	ssub.s32 s8, s28;
	s10 =	sadd.s32 s11, s10;
	s11 =	simm.s32 $0x80  }
0xb: {  	s3 =	sshrl.u32 s3, $0x3;
	s29 =	sshrl.u32 s4, $0x3;
	s10 =	sshll.u32 s10, $0x3  }
0xc: {  	s7 =	sadd.s32 s3, s5;
	s3 =	sadd.s32 $0x18DE00, s5;
	s30 =	sadd.s32 s9, s29  }
0xd: {  	s9 =	sadd.s32 s10, s9;
	s10 =	simm.s32 $0x3;
	s4 =	sadd.s32 $0x1000, s7  }
0xe: {  	s5 =	sadd.s32 $0xC000, s30;
	s6 =	sadd.s32 $0xC400, s30;
	s7 =	smax.u32 s8, $0x1  }
0xf: {  	s8 =	sadd.s32 s13, s31;
	s9 =	sadd.s32 $0x400, s9;
	s13 =	simm.s32 $0x3900  }
.LBB2_1:
0x10: {  	[tilespmem:s2], [sflag:$0x3] =	stream.linear.gather [hbm4b:s4+s2], $0x1900, $0x38;
	[tilespmem:$0x5900] =	vst v63  }
0x11: {  	_ =	swait.ge [sflag:s10], $0x1900  }
0x12: {  	[sflag:s10] =	ssyncset.done $0x0  }
0x13: {  	[sflag:s10] =	ssyncadd.s32 $0xFFFFE700  }
0x14: {  	[tilespmem:s12], [sflag:$0x1] =	stream.indirect.gather [hbm4b:s3+s11], $0x40, s2, s11, $0xb8;
	[tilespmem:$0x5900] =	vst v63  }
0x15: {  	s18 =	simm.s32 $0x80  }
0x16: {  	[tilespmem:s13], [sflag:$0x2] =	stream.indirect.gather [hbm4b:s3+s11], $0x40, s18, s11, $0xb8;
	[tilespmem:$0x5900] =	vst v63  }
0x17: {  	_ =	swait.ge [sflag:s14], $0x2000  }
0x18: {  	[sflag:s14] =	ssyncset.done $0x0  }
0x19: {  	s29 =	sadd.s32 $0x0, s8;
	[sflag:s14] =	ssyncadd.s32 $0xFFFFE000  }
0x1a: {  	[hbm4b:s29+s2] =	stream.linear.scatter [tilespmem:s12], [sflag:$0x3], $0x2000, $0x38;
	[tilespmem:$0x5900] =	vst v63  }
0x1b: {  	_ =	swait.ge [sflag:s10], $0x2000  }
0x1c: {  	[sflag:s10] =	ssyncset.done $0x0  }
0x1d: {  	s30 =	simm.s32 $0x100;
	[sflag:s10] =	ssyncadd.s32 $0xFFFFE000  }
0x1e: {  	[tilespmem:s12], [sflag:$0x1] =	stream.indirect.gather [hbm4b:s3+s11], $0x40, s30, s11, $0xb8;
	[tilespmem:$0x5900] =	vst v63  }
0x1f: {  	_ =	swait.ge [sflag:s15], $0x2000  }
0x20: {  	[sflag:s15] =	ssyncset.done $0x0  }
0x21: {  	s31 =	sadd.s32 $0x0, s9;
	[sflag:s15] =	ssyncadd.s32 $0xFFFFE000  }
0x22: {  	[hbm4b:s31+s2] =	stream.linear.scatter [tilespmem:s13], [sflag:$0x3], $0x2000, $0x38;
	[tilespmem:$0x5900] =	vst v63  }
0x23: {  	s20 =	simm.s32 $0x1000;
	_ =	swait.ge [sflag:s10], $0x2000  }
0x24: {  	s19 =	simm.s32 $0x200;
	s18 =	simm.s32 $0x800;
	[sflag:s10] =	ssyncset.done $0x0  }
.LBB2_2:
0x25: {  	p0 =	sne.s32 s20, $0xB800;
	s21 =	sadd.s32 $0xFFFFFF80, s19;
	[sflag:s10] =	ssyncadd.s32 $0xFFFFE000  }
0x26: {  	[tilespmem:s13], [sflag:$0x2] =	stream.indirect.gather [hbm4b:s3+s11], $0x40, s21, s11, $0xb8;
	[tilespmem:$0x5900] =	vst v63  }
0x27: {  	s21 =	smov.u32 s20;
	s20 =	sadd.s32 $0x800, s20;
	_ =	swait.ge [sflag:s14], $0x2000  }
0x28: {  	[sflag:s14] =	ssyncset.done $0x0  }
0x29: {  	s22 =	sadd.s32 s18, s8;
	[sflag:s14] =	ssyncadd.s32 $0xFFFFE000  }
0x2a: {  	[hbm4b:s22+s2] =	stream.linear.scatter [tilespmem:s12], [sflag:$0x3], $0x2000, $0x38;
	[tilespmem:$0x5900] =	vst v63  }
0x2b: {  	_ =	swait.ge [sflag:s10], $0x2000  }
0x2c: {  	[sflag:s10] =	ssyncset.done $0x0  }
0x2d: {  	[sflag:s10] =	ssyncadd.s32 $0xFFFFE000  }
0x2e: {  	[tilespmem:s12], [sflag:$0x1] =	stream.indirect.gather [hbm4b:s3+s11], $0x40, s19, s11, $0xb8;
	[tilespmem:$0x5900] =	vst v63  }
0x2f: {  	_ =	swait.ge [sflag:s15], $0x2000  }
.Ltmp0:
0x30: {  	[sflag:s15] =	ssyncset.done $0x0;
	(pc) =	sbr.rel @p0 .LBB2_2-.Ltmp0, $4  }
0x31: {  	s22 =	sadd.s32 s18, s9;
	s18 =	smov.u32 s21;
	[sflag:s15] =	ssyncadd.s32 $0xFFFFE000  }
0x32: {  	[hbm4b:s22+s2] =	stream.linear.scatter [tilespmem:s13], [sflag:$0x3], $0x2000, $0x38;
	[tilespmem:$0x5900] =	vst v63  }
0x33: {  	_ =	swait.ge [sflag:s10], $0x2000  }
0x34: {  	s19 =	sadd.s32 $0x100, s19;
	[sflag:s10] =	ssyncset.done $0x0  }
0x35: {  	s20 =	sadd.s32 $0xFFFFFF80, s19;
	[sflag:s10] =	ssyncadd.s32 $0xFFFFE000  }
0x36: {  	[tilespmem:s13], [sflag:$0x2] =	stream.indirect.gather [hbm4b:s3+s11], $0x40, s20, s11, $0xb8;
	[tilespmem:$0x5900] =	vst v63  }
0x37: {  	_ =	swait.ge [sflag:s14], $0x2000  }
0x38: {  	[sflag:s14] =	ssyncset.done $0x0  }
0x39: {  	s30 =	sadd.s32 s18, s8;
	[sflag:s14] =	ssyncadd.s32 $0xFFFFE000  }
0x3a: {  	[hbm4b:s30+s2] =	stream.linear.scatter [tilespmem:s12], [sflag:$0x3], $0x2000, $0x38;
	[tilespmem:$0x5900] =	vst v63  }
0x3b: {  	_ =	swait.ge [sflag:s10], $0x2000  }
0x3c: {  	[sflag:s10] =	ssyncset.done $0x0  }
0x3d: {  	[sflag:s10] =	ssyncadd.s32 $0xFFFFE000  }
0x3e: {  	[tilespmem:s12], [sflag:$0x1] =	stream.indirect.gather [hbm4b:s3+s11], $0x40, s19, s11, $0xb8;
	[tilespmem:$0x5900] =	vst v63  }
0x3f: {  	_ =	swait.ge [sflag:s15], $0x2000  }
0x40: {  	[sflag:s15] =	ssyncset.done $0x0  }
0x41: {  	s31 =	sadd.s32 s18, s9;
	[sflag:s15] =	ssyncadd.s32 $0xFFFFE000  }
0x42: {  	[hbm4b:s31+s2] =	stream.linear.scatter [tilespmem:s13], [sflag:$0x3], $0x2000, $0x38;
	[tilespmem:$0x5900] =	vst v63  }
0x43: {  	_ =	swait.ge [sflag:s10], $0x2000  }
0x44: {  	[sflag:s10] =	ssyncset.done $0x0  }
0x45: {  	[sflag:s10] =	ssyncadd.s32 $0xFFFFE000  }
0x46: {  	[tilespmem:s13], [sflag:$0x2] =	stream.indirect.gather [hbm4b:s3+s11], $0x40, s16, s11, $0xb8;
	[tilespmem:$0x5900] =	vst v63  }
0x47: {  	_ =	swait.ge [sflag:s14], $0x2000  }
0x48: {  	[sflag:s14] =	ssyncset.done $0x0  }
0x49: {  	[sflag:s14] =	ssyncadd.s32 $0xFFFFE000  }
0x4a: {  	[hbm4b:s5+s2] =	stream.linear.scatter [tilespmem:s12], [sflag:$0x3], $0x2000, $0x38;
	[tilespmem:$0x5900] =	vst v63  }
0x4b: {  	_ =	swait.ge [sflag:s10], $0x2000  }
0x4c: {  	[sflag:s10] =	ssyncset.done $0x0  }
0x4d: {  	[sflag:s10] =	ssyncadd.s32 $0xFFFFE000  }
0x4e: {  	s17 =	sadd.s32 $0x1, s17;
	_ =	swait.ge [sflag:s15], $0x2000  }
0x4f: {  	p0 =	sne.s32 s17, s7;
	[sflag:s15] =	ssyncset.done $0x0  }
.Ltmp1:
0x50: {  	[sflag:s15] =	ssyncadd.s32 $0xFFFFE000;
	(pc) =	sbr.rel @p0 .LBB2_1-.Ltmp1, $4  }
0x51: {  	[hbm4b:s6+s2] =	stream.linear.scatter [tilespmem:s13], [sflag:$0x3], $0x2000, $0x38;
	[tilespmem:$0x5900] =	vst v63  }
0x52: {  	_ =	swait.ge [sflag:s10], $0x2000  }
0x53: {  	[sflag:s10] =	ssyncset.done $0x0  }
0x54: {  	[sflag:s10] =	ssyncadd.s32 $0xFFFFE000  }
0x55: {  	_ =	sfence.sel $0x180000  }
0x56: {  	[bflag:$0x0] =	sbarrier.arrive $0xFFFF  }
0x57: {  	p0 =	sne.s32 s0, $0x0;
	_ =	strace $0x90000047  }
0x58: {  	s0 =	sadd.s32 @!p0 $0x100000, s1;
	[bflag:$0x2] =	sbarrier.arrive $0xFFFF  }
0x59: {  	[sflag:s0] =	ssyncadd.tile.s32 @!p0 $0x1;
	_ =	shalt  }
.Lfunc_end2:
_tile_overlayer_lowered:
.L_overlay_start_2:
0x5a: {  	(tag) =	ssettag $0x2  }
0x5b: {  	s0 =	rddreg [dreg:$0x0];
	s2 =	stileid.u32  }
0x5c: {  	s1 =	rddreg [dreg:$0x1];
	p0 =	sne.s32 s2, $0x0  }
0x5d: {  	s3 =	rddreg [dreg:$0x2];
	[bflag:$0x3] =	sbarrier.arrive $0xFFFF;
	s2 =	simm.s32 @!p0 $0x1C03  }
0x5e: {  	[timem:s3], [sflag:s2] =	dma.local @!p0 [hbm:s0], s1  }
0x5f: {  	s0 =	simm.s32 @!p0 $0x3  }
0x60: {  	_ =	swait.ge @!p0 [sflag:s0], s1  }
0x61: {  	s1 =	ssub.s32 @!p0 $0x0, s1;
	[sflag:s0] =	ssyncset.done @!p0 $0x0  }
0x62: {  	[sflag:s0] =	ssyncadd.s32 @!p0 s1  }
0x63: {  	[bflag:$0x3] =	sbarrier.arrive $0xFFFF  }
0x64: {  	_ =	shalt  }

</sc_bundles>
